<compile_context>
chip_gen: v7x
topology: tpu7x:2x2x1
jax: 0.10.2.dev20260603
libtpu: 0.0.44.dev20260713+nightly
codegen_flags: <defaults>
</compile_context>

<pallas_src>
import functools

import jax
import jax.numpy as jnp
from jax import lax
from jax.experimental import pallas as pl
from jax.experimental.pallas import tpu as pltpu
from jax.experimental.pallas import tpu_sc as plsc

B = 1024
D = 512
C = 100000
S = 30.0
LAMB = 0.01
ALPHA = 0.5

BLK_C = 3968
NBLK = (C + BLK_C - 1) // BLK_C


def _scores_body(x_ref, w_ref, tcol_ref, out_ref, lse_ref, ts_ref, acc_ref, tsacc_ref):
    i = pl.program_id(0)
    xs = x_ref[...]
    xn = xs * lax.rsqrt(jnp.sum(xs * xs, axis=1, keepdims=True))
    w = w_ref[...]
    col0 = i * BLK_C
    valid_c = (lax.broadcasted_iota(jnp.int32, (BLK_C, 1), 0) + col0) < C
    w = jnp.where(valid_c, w, 0.0)
    wsq = jnp.sum(w * w, axis=1, keepdims=True)
    wn = w * lax.rsqrt(jnp.where(valid_c, wsq, 1.0))
    s = S * lax.dot_general(xn, wn, (((1,), (1,)), ((), ())),
                            preferred_element_type=jnp.float32)
    out_ref[...] = s

    part = jnp.sum(jnp.exp(s - S), axis=1, keepdims=True)

    hit = lax.broadcasted_iota(jnp.int32, (1, BLK_C), 1) == (tcol_ref[...] - col0)
    ts_part = jnp.sum(jnp.where(hit, s, 0.0), axis=1, keepdims=True)

    @pl.when(i == 0)
    def _():
        acc_ref[...] = part
        tsacc_ref[...] = ts_part

    @pl.when(i > 0)
    def _():
        acc_ref[...] = acc_ref[...] + part
        tsacc_ref[...] = tsacc_ref[...] + ts_part

    @pl.when(i == NBLK - 1)
    def _():
        pad_mass = (NBLK * BLK_C - C) * jnp.exp(jnp.float32(-S))
        lse_ref[...] = S + jnp.log(acc_ref[...] - pad_mass)
        ts_ref[...] = tsacc_ref[...]


_scores_call = pl.pallas_call(
    _scores_body,
    grid=(NBLK,),
    in_specs=[
        pl.BlockSpec((B, D), lambda i: (0, 0)),
        pl.BlockSpec((BLK_C, D), lambda i: (i, 0)),
        pl.BlockSpec((B, 1), lambda i: (0, 0)),
    ],
    out_specs=[
        pl.BlockSpec((B, BLK_C), lambda i: (0, i)),
        pl.BlockSpec((B, 1), lambda i: (0, 0)),
        pl.BlockSpec((B, 1), lambda i: (0, 0)),
    ],
    out_shape=[
        jax.ShapeDtypeStruct((B, C), jnp.float32),
        jax.ShapeDtypeStruct((B, 1), jnp.float32),
        jax.ShapeDtypeStruct((B, 1), jnp.float32),
    ],
    scratch_shapes=[
        pltpu.VMEM((B, 1), jnp.float32),
        pltpu.VMEM((B, 1), jnp.float32),
    ],
    compiler_params=pltpu.CompilerParams(vmem_limit_bytes=63 * 1024 * 1024),
)


def _loss_body(x_ref, tcol_ref, trow_ref, cg_ref, lse_ref, ts_ref, out_ref):
    xs = x_ref[...]
    xn = xs * lax.rsqrt(jnp.sum(xs * xs, axis=1, keepdims=True))

    ce = -(jnp.sum(ts_ref[...] - lse_ref[...]) / B)

    eq = (tcol_ref[...] == trow_ref[0:1, :]).astype(jnp.float32)
    n = jnp.sum(eq, axis=1, keepdims=True)
    sx = lax.dot_general(eq, xn, (((1,), (0,)), ((), ())),
                         preferred_element_type=jnp.float32)
    coef = ALPHA / (n + 1.0)
    cg = cg_ref[...]
    cnew = cg * (1.0 - coef * n) + coef * sx
    dd = xn - cnew
    center_loss = jnp.sum(dd * dd) / B
    out_ref[0, 0] = ce + LAMB * 0.5 * center_loss


_loss_call = pl.pallas_call(
    _loss_body,
    out_specs=pl.BlockSpec(memory_space=pltpu.SMEM),
    out_shape=jax.ShapeDtypeStruct((1, 1), jnp.float32),
)

_info = plsc.get_sparse_core_info()
_NW = _info.num_cores * _info.num_subcores
_BPW = B // _NW


@functools.partial(
    pl.kernel,
    mesh=plsc.VectorSubcoreMesh(core_axis_name="c", subcore_axis_name="s"),
    out_type=jax.ShapeDtypeStruct((B, D), jnp.float32),
    scratch_types=[
        pltpu.VMEM((_BPW,), jnp.int32),
        pltpu.VMEM((_BPW, D), jnp.float32),
        pltpu.SemaphoreType.DMA,
    ],
)
def _sc_gather(c_hbm, tgt_hbm, cg_hbm, idx_v, crows, sem_c):
    wid = lax.axis_index("s") * _info.num_cores + lax.axis_index("c")
    base = wid * _BPW
    pltpu.sync_copy(tgt_hbm.at[pl.ds(base, _BPW)], idx_v)
    pltpu.async_copy(c_hbm.at[idx_v], crows, sem_c).wait()
    pltpu.sync_copy(crows, cg_hbm.at[pl.ds(base, _BPW)])


def kernel(input, target, W, centers):
    target = target.astype(jnp.int32)
    cg = _sc_gather(centers, target)
    tcol = target[:, None]
    scores, lse, ts = _scores_call(input, W, tcol)
    trow = jnp.broadcast_to(target[None, :], (8, B))
    total = _loss_call(input, tcol, trow, cg, lse, ts)
    return scores, total[0, 0]

# --- scband reference (transcript-rebuilt; emitter-appended) ---
"""Pipeline reference for scband-centerloss-79336635892151 (READ-ONLY COPY).

The authoritative reference and input builder live on the scoring server;
editing this copy changes nothing except your own understanding.
"""

import jax, jax.numpy as jnp
import numpy as np

B = 1024
D = 512
C = 100000
S = 30.0
LAMB = 0.01
ALPHA = 0.5


def l2norm(x):
    return x / jnp.linalg.norm(x, axis=1, keepdims=True)


def setup_inputs(seed: int = 0) -> dict:
    key = jax.random.key(seed)
    k1, k2, k3, k4 = jax.random.split(key, 4)
    inp = jax.random.normal(k1, (B, D), dtype=jnp.float32)
    tgt = jax.random.randint(k2, (B,), 0, C)
    bound = 1.0 / np.sqrt(D)
    W = jax.random.uniform(k3, (C, D), dtype=jnp.float32, minval=-bound, maxval=bound)
    centers = jax.random.uniform(k4, (C, D), dtype=jnp.float32, minval=-bound, maxval=bound)
    return {"input": inp, "target": tgt, "W": W, "centers": centers}


def reference(input, target, W, centers):
    # softmax branch (w_norm and f_norm both true)
    x = l2norm(input)
    weight = l2norm(W)
    scores = x @ weight.T
    scores_new = S * scores
    logp = jax.nn.log_softmax(scores_new, axis=1)
    ce = -jnp.mean(logp[jnp.arange(B), target])

    # update_center (mutates centers before computing the center loss)
    sort_idx = jnp.argsort(target)
    t_sorted = target[sort_idx]
    feats = jax.lax.stop_gradient(x)[sort_idx]  # features.detach()
    delta = centers[t_sorted] - feats
    delta_sum = jnp.zeros((C, D), dtype=jnp.float32).at[t_sorted].add(delta)
    counts = jnp.zeros((C,), dtype=jnp.float32).at[t_sorted].add(1.0)[:, None]
    result = delta_sum / (counts + 1.0) * ALPHA
    centers_new = centers - result

    # center loss using updated centers
    tc = centers_new[target]
    center_loss = jnp.mean(jnp.sum((x - tc) ** 2, axis=1))
    total = ce + LAMB * 0.5 * center_loss
    return scores_new, total

if __name__ == "__main__":
    import jax
    _d = setup_inputs()
    print(jax.jit(kernel)(*tuple(_d.values())))

</pallas_src>

<mosaic_0001>
#map = affine_map<(d0, d1) -> (0, 0)>
#map1 = affine_map<(d0, d1) -> (0)>
module attributes {stable_mosaic.version = 14 : i64} {
  func.func @_sc_gather(%arg0: i32, %arg1: i32, %arg2: memref<100000x512xf32, #tpu.memory_space<hbm>>, %arg3: memref<1024xi32, #tpu.memory_space<hbm>>, %arg4: memref<1024x512xf32, #tpu.memory_space<hbm>>, %arg5: memref<32xi32, #tpu.memory_space<vmem>>, %arg6: memref<32x512xf32, #tpu.memory_space<vmem>>, %arg7: memref<!tpu.dma_semaphore, #tpu.memory_space<semaphore_mem>>) attributes {dimension_semantics = [#tpu.dimension_semantics<core_parallel>, #tpu.dimension_semantics<subcore_parallel>], iteration_bounds = array<i64: 2, 16>, scalar_prefetch = 0 : i64, scratch_operands = 3 : i64, tpu.core_type = #tpu.core_type<sc_vector_subcore>, window_params = [{transform_indices = #map}, {transform_indices = #map1}, {transform_indices = #map}]} {
    %mul3A = arith.constant 2 : i32
    %mul3A_0 = arith.muli %arg1, %mul3A : i32
    %add3A = arith.addi %mul3A_0, %arg0 : i32
    %mul3A_1 = arith.constant 32 : i32
    %mul3A_2 = arith.muli %add3A, %mul3A_1 : i32
    "tpu.region"() ({
      %run_scoped3A = tpu.sem_alloc : memref<!tpu.dma_semaphore, #tpu.memory_space<semaphore_mem>>
      %dma_start3A_7 = tpu.memref_slice %arg3[%mul3A_2] : memref<1024xi32, #tpu.memory_space<hbm>> -> memref<32xi32, #tpu.memory_space<hbm>>
      %dma_start3A_8 = tpu.memref_slice %arg3[%mul3A_2] : memref<1024xi32, #tpu.memory_space<hbm>> -> memref<32xi32, #tpu.memory_space<hbm>>
      tpu.enqueue_dma source(%dma_start3A_8 : memref<32xi32, #tpu.memory_space<hbm>>) target(%arg5 : memref<32xi32, #tpu.memory_space<vmem>>) target_semaphore(%run_scoped3A : memref<!tpu.dma_semaphore, #tpu.memory_space<semaphore_mem>>)
      %dma_wait3A_9 = tpu.memref_slice %arg3[%mul3A_2] : memref<1024xi32, #tpu.memory_space<hbm>> -> memref<32xi32, #tpu.memory_space<hbm>>
      %dma_wait3A_10 = tpu.memref_slice %arg3[%mul3A_2] : memref<1024xi32, #tpu.memory_space<hbm>> -> memref<32xi32, #tpu.memory_space<hbm>>
      tpu.wait_dma2 semaphore(%run_scoped3A : memref<!tpu.dma_semaphore, #tpu.memory_space<semaphore_mem>>) src(%dma_wait3A_10 : memref<32xi32, #tpu.memory_space<hbm>>) dst(%arg5 : memref<32xi32, #tpu.memory_space<vmem>>)
      tpu.yield
    }) : () -> ()
    %dma_start3A = arith.constant 0 : i32
    %dma_start3A_3 = arith.constant 0 : i32
    %dma_start3A_4 = tpu.memref_slice %arg2[%dma_start3A, %dma_start3A_3] : memref<100000x512xf32, #tpu.memory_space<hbm>> -> memref<100000x512xf32, #tpu.memory_space<hbm>>
    tpu.enqueue_indirect_dma source(%dma_start3A_4 : memref<100000x512xf32, #tpu.memory_space<hbm>>) target(%arg6 : memref<32x512xf32, #tpu.memory_space<vmem>>) offsets(%arg5 : memref<32xi32, #tpu.memory_space<vmem>>) semaphore(%arg7 : memref<!tpu.dma_semaphore, #tpu.memory_space<semaphore_mem>>)
    %dma_wait3A = arith.constant 0 : i32
    %dma_wait3A_5 = arith.constant 0 : i32
    %dma_wait3A_6 = tpu.memref_slice %arg2[%dma_wait3A, %dma_wait3A_5] : memref<100000x512xf32, #tpu.memory_space<hbm>> -> memref<100000x512xf32, #tpu.memory_space<hbm>>
    tpu.wait_indirect_dma semaphore(%arg7 : memref<!tpu.dma_semaphore, #tpu.memory_space<semaphore_mem>>) src(%dma_wait3A_6 : memref<100000x512xf32, #tpu.memory_space<hbm>>) dst(%arg6 : memref<32x512xf32, #tpu.memory_space<vmem>>)
    "tpu.region"() ({
      %run_scoped3A = tpu.sem_alloc : memref<!tpu.dma_semaphore, #tpu.memory_space<semaphore_mem>>
      %dma_start3A_7 = arith.constant 0 : i32
      %dma_start3A_8 = tpu.memref_slice %arg4[%mul3A_2, %dma_start3A_7] : memref<1024x512xf32, #tpu.memory_space<hbm>> -> memref<32x512xf32, #tpu.memory_space<hbm>>
      %dma_start3A_9 = arith.constant 0 : i32
      %dma_start3A_10 = tpu.memref_slice %arg4[%mul3A_2, %dma_start3A_9] : memref<1024x512xf32, #tpu.memory_space<hbm>> -> memref<32x512xf32, #tpu.memory_space<hbm>>
      tpu.enqueue_dma source(%arg6 : memref<32x512xf32, #tpu.memory_space<vmem>>) target(%dma_start3A_10 : memref<32x512xf32, #tpu.memory_space<hbm>>) target_semaphore(%run_scoped3A : memref<!tpu.dma_semaphore, #tpu.memory_space<semaphore_mem>>)
      %dma_wait3A_11 = arith.constant 0 : i32
      %dma_wait3A_12 = tpu.memref_slice %arg4[%mul3A_2, %dma_wait3A_11] : memref<1024x512xf32, #tpu.memory_space<hbm>> -> memref<32x512xf32, #tpu.memory_space<hbm>>
      %dma_wait3A_13 = arith.constant 0 : i32
      %dma_wait3A_14 = tpu.memref_slice %arg4[%mul3A_2, %dma_wait3A_13] : memref<1024x512xf32, #tpu.memory_space<hbm>> -> memref<32x512xf32, #tpu.memory_space<hbm>>
      tpu.wait_dma2 semaphore(%run_scoped3A : memref<!tpu.dma_semaphore, #tpu.memory_space<semaphore_mem>>) src(%arg6 : memref<32x512xf32, #tpu.memory_space<vmem>>) dst(%dma_wait3A_14 : memref<32x512xf32, #tpu.memory_space<hbm>>)
      tpu.yield
    }) : () -> ()
    return
  }
}

module attributes {stable_mosaic.version = 14 : i64} {
  func.func @_scores_body(%arg0: i32, %arg1: memref<1024x512xf32, #tpu.memory_space<vmem>>, %arg2: memref<3968x512xf32, #tpu.memory_space<vmem>>, %arg3: memref<1024x1xi32, #tpu.memory_space<vmem>>, %arg4: memref<1024x3968xf32, #tpu.memory_space<vmem>>, %arg5: memref<1024x1xf32, #tpu.memory_space<vmem>>, %arg6: memref<1024x1xf32, #tpu.memory_space<vmem>>, %arg7: memref<1024x1xf32, #tpu.memory_space<vmem>>, %arg8: memref<1024x1xf32, #tpu.memory_space<vmem>>) attributes {dimension_semantics = [#tpu.dimension_semantics<arbitrary>], iteration_bounds = array<i64: 26>, scalar_prefetch = 0 : i64, scratch_operands = 2 : i64, tpu.core_type = #tpu.core_type<tc>, window_params = [{pipeline_mode = #tpu.pipeline_mode<synchronous>, transform_indices = @transform_0, window_bounds = array<i64: 1024, 512>}, {transform_indices = @transform_1, window_bounds = array<i64: 3968, 512>}, {pipeline_mode = #tpu.pipeline_mode<synchronous>, transform_indices = @transform_2, window_bounds = array<i64: 1024, 1>}, {transform_indices = @transform_3, window_bounds = array<i64: 1024, 3968>}, {pipeline_mode = #tpu.pipeline_mode<synchronous>, transform_indices = @transform_4, window_bounds = array<i64: 1024, 1>}, {pipeline_mode = #tpu.pipeline_mode<synchronous>, transform_indices = @transform_5, window_bounds = array<i64: 1024, 1>}]} {
    %get3A = arith.constant 0 : index
    %get3A_0 = arith.constant 0 : index
    %get3A_1 = vector.load %arg1[%get3A, %get3A_0] : memref<1024x512xf32, #tpu.memory_space<vmem>>, vector<1024x512xf32>
    %mul3A = arith.mulf %get3A_1, %get3A_1 : vector<1024x512xf32>
    %reduce_sum3A = arith.constant dense<0.000000e+00> : vector<1024xf32>
    %reduce_sum3A_2 = vector.multi_reduction <add>, %mul3A, %reduce_sum3A [1] : vector<1024x512xf32> to vector<1024xf32>
    %broadcast_in_dim3A = vector.shape_cast %reduce_sum3A_2 : vector<1024xf32> to vector<1024x1xf32>
    %rsqrt3A = math.rsqrt %broadcast_in_dim3A : vector<1024x1xf32>
    %mul3A_3 = vector.broadcast %rsqrt3A : vector<1024x1xf32> to vector<1024x512xf32>
    %mul3A_4 = arith.mulf %get3A_1, %mul3A_3 : vector<1024x512xf32>
    %get3A_5 = arith.constant 0 : index
    %get3A_6 = arith.constant 0 : index
    %get3A_7 = vector.load %arg2[%get3A_5, %get3A_6] : memref<3968x512xf32, #tpu.memory_space<vmem>>, vector<3968x512xf32>
    %mul3A_8 = arith.constant 3968 : i32
    %mul3A_9 = arith.muli %arg0, %mul3A_8 : i32
    %iota3A = tpu.iota {dimensions = array<i32: 0>} : vector<3968x1xi32>
    %add3A = vector.broadcast %mul3A_9 : i32 to vector<3968x1xi32>
    %add3A_10 = arith.addi %iota3A, %add3A : vector<3968x1xi32>
    %lt3A = arith.constant 100000 : i32
    %lt3A_11 = vector.broadcast %lt3A : i32 to vector<3968x1xi32>
    %lt3A_12 = arith.cmpi slt, %add3A_10, %lt3A_11 : vector<3968x1xi32>
    %jit3A = arith.constant 0.000000e+00 : f32
    %broadcast_in_dim3A_13 = vector.shape_cast %lt3A_12 : vector<3968x1xi1> to vector<3968x1xi1>
    %broadcast_in_dim3A_14 = vector.broadcast %broadcast_in_dim3A_13 : vector<3968x1xi1> to vector<3968x512xi1>
    %broadcast_in_dim3A_15 = vector.broadcast %jit3A : f32 to vector<3968x512xf32>
    %select_n3A = arith.select %broadcast_in_dim3A_14, %get3A_7, %broadcast_in_dim3A_15 : vector<3968x512xi1>, vector<3968x512xf32>
    %mul3A_16 = arith.mulf %select_n3A, %select_n3A : vector<3968x512xf32>
    %reduce_sum3A_17 = arith.constant dense<0.000000e+00> : vector<3968xf32>
    %reduce_sum3A_18 = vector.multi_reduction <add>, %mul3A_16, %reduce_sum3A_17 [1] : vector<3968x512xf32> to vector<3968xf32>
    %broadcast_in_dim3A_19 = vector.shape_cast %reduce_sum3A_18 : vector<3968xf32> to vector<3968x1xf32>
    %jit3A_20 = arith.constant 1.000000e+00 : f32
    %broadcast_in_dim3A_21 = vector.broadcast %jit3A_20 : f32 to vector<3968x1xf32>
    %select_n3A_22 = arith.select %lt3A_12, %broadcast_in_dim3A_19, %broadcast_in_dim3A_21 : vector<3968x1xi1>, vector<3968x1xf32>
    %rsqrt3A_23 = math.rsqrt %select_n3A_22 : vector<3968x1xf32>
    %mul3A_24 = vector.broadcast %rsqrt3A_23 : vector<3968x1xf32> to vector<3968x512xf32>
    %mul3A_25 = arith.mulf %select_n3A, %mul3A_24 : vector<3968x512xf32>
    %dot_general3A = arith.constant dense<0.000000e+00> : vector<1024x3968xf32>
    %dot_general3A_26 = tpu.matmul %mul3A_4, %mul3A_25, %dot_general3A {dimension_numbers = #tpu.dot_dimension_numbers<[1], [1], [0], [0], [0, 0, 1, 0], [], []>, transpose_lhs_hint = false} : vector<1024x512xf32>, vector<3968x512xf32>, vector<1024x3968xf32> -> vector<1024x3968xf32>
    %mul3A_27 = arith.constant 3.000000e+01 : f32
    %mul3A_28 = vector.broadcast %mul3A_27 : f32 to vector<1024x3968xf32>
    %mul3A_29 = arith.mulf %mul3A_28, %dot_general3A_26 : vector<1024x3968xf32>
    %swap3A = arith.constant 0 : index
    %swap3A_30 = arith.constant 0 : index
    %swap3A_31 = vector.load %arg4[%swap3A, %swap3A_30] : memref<1024x3968xf32, #tpu.memory_space<vmem>>, vector<1024x3968xf32>
    tpu.vector_store %arg4[%swap3A, %swap3A_30], %mul3A_29 {strides = array<i32>} : memref<1024x3968xf32, #tpu.memory_space<vmem>>, vector<1024x3968xf32>,
    %sub3A = arith.constant 3.000000e+01 : f32
    %sub3A_32 = vector.broadcast %sub3A : f32 to vector<1024x3968xf32>
    %sub3A_33 = arith.subf %mul3A_29, %sub3A_32 : vector<1024x3968xf32>
    %exp3A = math.exp %sub3A_33 : vector<1024x3968xf32>
    %reduce_sum3A_34 = arith.constant dense<0.000000e+00> : vector<1024xf32>
    %reduce_sum3A_35 = vector.multi_reduction <add>, %exp3A, %reduce_sum3A_34 [1] : vector<1024x3968xf32> to vector<1024xf32>
    %broadcast_in_dim3A_36 = vector.shape_cast %reduce_sum3A_35 : vector<1024xf32> to vector<1024x1xf32>
    %iota3A_37 = tpu.iota {dimensions = array<i32: 1>} : vector<1x3968xi32>
    %get3A_38 = arith.constant 0 : index
    %get3A_39 = arith.constant 0 : index
    %get3A_40 = vector.load %arg3[%get3A_38, %get3A_39] : memref<1024x1xi32, #tpu.memory_space<vmem>>, vector<1024x1xi32>
    %sub3A_41 = vector.broadcast %mul3A_9 : i32 to vector<1024x1xi32>
    %sub3A_42 = arith.subi %get3A_40, %sub3A_41 : vector<1024x1xi32>
    %eq3A = vector.broadcast %iota3A_37 : vector<1x3968xi32> to vector<1024x3968xi32>
    %eq3A_43 = vector.broadcast %sub3A_42 : vector<1024x1xi32> to vector<1024x3968xi32>
    %eq3A_44 = arith.cmpi eq, %eq3A, %eq3A_43 : vector<1024x3968xi32>
    %jit3A_45 = arith.constant 0.000000e+00 : f32
    %broadcast_in_dim3A_46 = vector.broadcast %jit3A_45 : f32 to vector<1024x3968xf32>
    %select_n3A_47 = arith.select %eq3A_44, %mul3A_29, %broadcast_in_dim3A_46 : vector<1024x3968xi1>, vector<1024x3968xf32>
    %reduce_sum3A_48 = arith.constant dense<0.000000e+00> : vector<1024xf32>
    %reduce_sum3A_49 = vector.multi_reduction <add>, %select_n3A_47, %reduce_sum3A_48 [1] : vector<1024x3968xf32> to vector<1024xf32>
    %broadcast_in_dim3A_50 = vector.shape_cast %reduce_sum3A_49 : vector<1024xf32> to vector<1024x1xf32>
    %eq3A_51 = arith.constant 0 : i32
    %eq3A_52 = arith.cmpi eq, %arg0, %eq3A_51 : i32
    %convert_element_type3A = arith.extui %eq3A_52 : i1 to i32
    %cond3A = arith.constant 0 : i32
    %cond3A_53 = arith.cmpi ne, %convert_element_type3A, %cond3A : i32
    scf.if %cond3A_53 {
      %swap3A_63 = arith.constant 0 : index
      %swap3A_64 = arith.constant 0 : index
      %swap3A_65 = vector.load %arg7[%swap3A_63, %swap3A_64] : memref<1024x1xf32, #tpu.memory_space<vmem>>, vector<1024x1xf32>
      tpu.vector_store %arg7[%swap3A_63, %swap3A_64], %broadcast_in_dim3A_36 {strides = array<i32>} : memref<1024x1xf32, #tpu.memory_space<vmem>>, vector<1024x1xf32>,
      %swap3A_66 = arith.constant 0 : index
      %swap3A_67 = arith.constant 0 : index
      %swap3A_68 = vector.load %arg8[%swap3A_66, %swap3A_67] : memref<1024x1xf32, #tpu.memory_space<vmem>>, vector<1024x1xf32>
      tpu.vector_store %arg8[%swap3A_66, %swap3A_67], %broadcast_in_dim3A_50 {strides = array<i32>} : memref<1024x1xf32, #tpu.memory_space<vmem>>, vector<1024x1xf32>,
    } else {
    }
    %gt3A = arith.constant 0 : i32
    %gt3A_54 = arith.cmpi sgt, %arg0, %gt3A : i32
    %convert_element_type3A_55 = arith.extui %gt3A_54 : i1 to i32
    %cond3A_56 = arith.constant 0 : i32
    %cond3A_57 = arith.cmpi ne, %convert_element_type3A_55, %cond3A_56 : i32
    scf.if %cond3A_57 {
      %get3A_63 = arith.constant 0 : index
      %get3A_64 = arith.constant 0 : index
      %get3A_65 = vector.load %arg7[%get3A_63, %get3A_64] : memref<1024x1xf32, #tpu.memory_space<vmem>>, vector<1024x1xf32>
      %add3A_66 = arith.addf %get3A_65, %broadcast_in_dim3A_36 : vector<1024x1xf32>
      %swap3A_67 = arith.constant 0 : index
      %swap3A_68 = arith.constant 0 : index
      %swap3A_69 = vector.load %arg7[%swap3A_67, %swap3A_68] : memref<1024x1xf32, #tpu.memory_space<vmem>>, vector<1024x1xf32>
      tpu.vector_store %arg7[%swap3A_67, %swap3A_68], %add3A_66 {strides = array<i32>} : memref<1024x1xf32, #tpu.memory_space<vmem>>, vector<1024x1xf32>,
      %get3A_70 = arith.constant 0 : index
      %get3A_71 = arith.constant 0 : index
      %get3A_72 = vector.load %arg8[%get3A_70, %get3A_71] : memref<1024x1xf32, #tpu.memory_space<vmem>>, vector<1024x1xf32>
      %add3A_73 = arith.addf %get3A_72, %broadcast_in_dim3A_50 : vector<1024x1xf32>
      %swap3A_74 = arith.constant 0 : index
      %swap3A_75 = arith.constant 0 : index
      %swap3A_76 = vector.load %arg8[%swap3A_74, %swap3A_75] : memref<1024x1xf32, #tpu.memory_space<vmem>>, vector<1024x1xf32>
      tpu.vector_store %arg8[%swap3A_74, %swap3A_75], %add3A_73 {strides = array<i32>} : memref<1024x1xf32, #tpu.memory_space<vmem>>, vector<1024x1xf32>,
    } else {
    }
    %eq3A_58 = arith.constant 25 : i32
    %eq3A_59 = arith.cmpi eq, %arg0, %eq3A_58 : i32
    %convert_element_type3A_60 = arith.extui %eq3A_59 : i1 to i32
    %cond3A_61 = arith.constant 0 : i32
    %cond3A_62 = arith.cmpi ne, %convert_element_type3A_60, %cond3A_61 : i32
    scf.if %cond3A_62 {
      %exp3A_63 = arith.constant -3.000000e+01 : f32
      %exp3A_64 = math.exp %exp3A_63 : f32
      %mul3A_65 = arith.constant 3.168000e+03 : f32
      %mul3A_66 = arith.mulf %mul3A_65, %exp3A_64 : f32
      %get3A_67 = arith.constant 0 : index
      %get3A_68 = arith.constant 0 : index
      %get3A_69 = vector.load %arg7[%get3A_67, %get3A_68] : memref<1024x1xf32, #tpu.memory_space<vmem>>, vector<1024x1xf32>
      %sub3A_70 = vector.broadcast %mul3A_66 : f32 to vector<1024x1xf32>
      %sub3A_71 = arith.subf %get3A_69, %sub3A_70 : vector<1024x1xf32>
      %log3A = math.log %sub3A_71 : vector<1024x1xf32>
      %add3A_72 = arith.constant 3.000000e+01 : f32
      %add3A_73 = vector.broadcast %add3A_72 : f32 to vector<1024x1xf32>
      %add3A_74 = arith.addf %add3A_73, %log3A : vector<1024x1xf32>
      %swap3A_75 = arith.constant 0 : index
      %swap3A_76 = arith.constant 0 : index
      %swap3A_77 = vector.load %arg5[%swap3A_75, %swap3A_76] : memref<1024x1xf32, #tpu.memory_space<vmem>>, vector<1024x1xf32>
      tpu.vector_store %arg5[%swap3A_75, %swap3A_76], %add3A_74 {strides = array<i32>} : memref<1024x1xf32, #tpu.memory_space<vmem>>, vector<1024x1xf32>,
      %get3A_78 = arith.constant 0 : index
      %get3A_79 = arith.constant 0 : index
      %get3A_80 = vector.load %arg8[%get3A_78, %get3A_79] : memref<1024x1xf32, #tpu.memory_space<vmem>>, vector<1024x1xf32>
      %swap3A_81 = arith.constant 0 : index
      %swap3A_82 = arith.constant 0 : index
      %swap3A_83 = vector.load %arg6[%swap3A_81, %swap3A_82] : memref<1024x1xf32, #tpu.memory_space<vmem>>, vector<1024x1xf32>
      tpu.vector_store %arg6[%swap3A_81, %swap3A_82], %get3A_80 {strides = array<i32>} : memref<1024x1xf32, #tpu.memory_space<vmem>>, vector<1024x1xf32>,
    } else {
    }
    return
  }
  func.func @transform_0(%arg0: i32) -> (i32, i32) {
    %c0_i32 = arith.constant 0 : i32
    %c0_i32_0 = arith.constant 0 : i32
    %c0_i32_1 = arith.constant 0 : i32
    return %c0_i32, %c0_i32_0 : i32, i32
  }
  func.func @transform_1(%arg0: i32) -> (i32, i32) {
    %c0_i32 = arith.constant 0 : i32
    %c0_i32_0 = arith.constant 0 : i32
    return %arg0, %c0_i32 : i32, i32
  }
  func.func @transform_2(%arg0: i32) -> (i32, i32) {
    %c0_i32 = arith.constant 0 : i32
    %c0_i32_0 = arith.constant 0 : i32
    %c0_i32_1 = arith.constant 0 : i32
    return %c0_i32, %c0_i32_0 : i32, i32
  }
  func.func @transform_3(%arg0: i32) -> (i32, i32) {
    %c0_i32 = arith.constant 0 : i32
    %c0_i32_0 = arith.constant 0 : i32
    return %c0_i32, %arg0 : i32, i32
  }
  func.func @transform_4(%arg0: i32) -> (i32, i32) {
    %c0_i32 = arith.constant 0 : i32
    %c0_i32_0 = arith.constant 0 : i32
    %c0_i32_1 = arith.constant 0 : i32
    return %c0_i32, %c0_i32_0 : i32, i32
  }
  func.func @transform_5(%arg0: i32) -> (i32, i32) {
    %c0_i32 = arith.constant 0 : i32
    %c0_i32_0 = arith.constant 0 : i32
    %c0_i32_1 = arith.constant 0 : i32
    return %c0_i32, %c0_i32_0 : i32, i32
  }
}

module attributes {stable_mosaic.version = 14 : i64} {
  func.func @_loss_body(%arg0: memref<1024x512xf32, #tpu.memory_space<vmem>>, %arg1: memref<1024x1xi32, #tpu.memory_space<vmem>>, %arg2: memref<8x1024xi32, #tpu.memory_space<vmem>>, %arg3: memref<1024x512xf32, #tpu.memory_space<vmem>>, %arg4: memref<1024x1xf32, #tpu.memory_space<vmem>>, %arg5: memref<1024x1xf32, #tpu.memory_space<vmem>>, %arg6: memref<1x1xf32, #tpu.memory_space<smem>>) attributes {dimension_semantics = [], scalar_prefetch = 0 : i64, scratch_operands = 0 : i64, tpu.core_type = #tpu.core_type<tc>} {
    %get3A = arith.constant 0 : index
    %get3A_0 = arith.constant 0 : index
    %get3A_1 = vector.load %arg0[%get3A, %get3A_0] : memref<1024x512xf32, #tpu.memory_space<vmem>>, vector<1024x512xf32>
    %mul3A = arith.mulf %get3A_1, %get3A_1 : vector<1024x512xf32>
    %reduce_sum3A = arith.constant dense<0.000000e+00> : vector<1024xf32>
    %reduce_sum3A_2 = vector.multi_reduction <add>, %mul3A, %reduce_sum3A [1] : vector<1024x512xf32> to vector<1024xf32>
    %broadcast_in_dim3A = vector.shape_cast %reduce_sum3A_2 : vector<1024xf32> to vector<1024x1xf32>
    %rsqrt3A = math.rsqrt %broadcast_in_dim3A : vector<1024x1xf32>
    %mul3A_3 = vector.broadcast %rsqrt3A : vector<1024x1xf32> to vector<1024x512xf32>
    %mul3A_4 = arith.mulf %get3A_1, %mul3A_3 : vector<1024x512xf32>
    %get3A_5 = arith.constant 0 : index
    %get3A_6 = arith.constant 0 : index
    %get3A_7 = vector.load %arg5[%get3A_5, %get3A_6] : memref<1024x1xf32, #tpu.memory_space<vmem>>, vector<1024x1xf32>
    %get3A_8 = arith.constant 0 : index
    %get3A_9 = arith.constant 0 : index
    %get3A_10 = vector.load %arg4[%get3A_8, %get3A_9] : memref<1024x1xf32, #tpu.memory_space<vmem>>, vector<1024x1xf32>
    %sub3A = arith.subf %get3A_7, %get3A_10 : vector<1024x1xf32>
    %reduce_sum3A_11 = vector.shape_cast %sub3A : vector<1024x1xf32> to vector<1x1024x1xf32>
    %reduce_sum3A_12 = arith.constant dense<0.000000e+00> : vector<1xf32>
    %reduce_sum3A_13 = vector.multi_reduction <add>, %reduce_sum3A_11, %reduce_sum3A_12 [1, 2] : vector<1x1024x1xf32> to vector<1xf32>
    %reduce_sum3A_14 = vector.shape_cast %reduce_sum3A_13 : vector<1xf32> to vector<1x1x1xf32>
    %reduce_sum3A_15 = vector.extract %reduce_sum3A_14[0, 0, 0] : f32 from vector<1x1x1xf32>
    %div3A = arith.constant 1.024000e+03 : f32
    %div3A_16 = arith.divf %reduce_sum3A_15, %div3A : f32
    %neg3A = arith.constant 0.000000e+00 : f32
    %neg3A_17 = arith.subf %neg3A, %div3A_16 : f32
    %get3A_18 = arith.constant 0 : index
    %get3A_19 = arith.constant 0 : index
    %get3A_20 = vector.load %arg1[%get3A_18, %get3A_19] : memref<1024x1xi32, #tpu.memory_space<vmem>>, vector<1024x1xi32>
    %get3A_21 = arith.constant 0 : index
    %get3A_22 = arith.constant 0 : index
    %get3A_23 = vector.load %arg2[%get3A_21, %get3A_22] : memref<8x1024xi32, #tpu.memory_space<vmem>>, vector<1x1024xi32>
    %eq3A = vector.broadcast %get3A_20 : vector<1024x1xi32> to vector<1024x1024xi32>
    %eq3A_24 = vector.broadcast %get3A_23 : vector<1x1024xi32> to vector<1024x1024xi32>
    %eq3A_25 = arith.cmpi eq, %eq3A, %eq3A_24 : vector<1024x1024xi32>
    %convert_element_type3A = arith.extui %eq3A_25 : vector<1024x1024xi1> to vector<1024x1024xi32>
    %convert_element_type3A_26 = arith.sitofp %convert_element_type3A : vector<1024x1024xi32> to vector<1024x1024xf32>
    %reduce_sum3A_27 = arith.constant dense<0.000000e+00> : vector<1024xf32>
    %reduce_sum3A_28 = vector.multi_reduction <add>, %convert_element_type3A_26, %reduce_sum3A_27 [1] : vector<1024x1024xf32> to vector<1024xf32>
    %broadcast_in_dim3A_29 = vector.shape_cast %reduce_sum3A_28 : vector<1024xf32> to vector<1024x1xf32>
    %dot_general3A = arith.constant dense<0.000000e+00> : vector<1024x512xf32>
    %dot_general3A_30 = tpu.matmul %convert_element_type3A_26, %mul3A_4, %dot_general3A {dimension_numbers = #tpu.dot_dimension_numbers<[1], [0], [0], [1], [0, 0, 1, 1], [], []>, transpose_lhs_hint = false} : vector<1024x1024xf32>, vector<1024x512xf32>, vector<1024x512xf32> -> vector<1024x512xf32>
    %add3A = arith.constant 1.000000e+00 : f32
    %add3A_31 = vector.broadcast %add3A : f32 to vector<1024x1xf32>
    %add3A_32 = arith.addf %broadcast_in_dim3A_29, %add3A_31 : vector<1024x1xf32>
    %div3A_33 = arith.constant 5.000000e-01 : f32
    %div3A_34 = vector.broadcast %div3A_33 : f32 to vector<1024x1xf32>
    %div3A_35 = arith.divf %div3A_34, %add3A_32 : vector<1024x1xf32>
    %get3A_36 = arith.constant 0 : index
    %get3A_37 = arith.constant 0 : index
    %get3A_38 = vector.load %arg3[%get3A_36, %get3A_37] : memref<1024x512xf32, #tpu.memory_space<vmem>>, vector<1024x512xf32>
    %mul3A_39 = arith.mulf %div3A_35, %broadcast_in_dim3A_29 : vector<1024x1xf32>
    %sub3A_40 = arith.constant 1.000000e+00 : f32
    %sub3A_41 = vector.broadcast %sub3A_40 : f32 to vector<1024x1xf32>
    %sub3A_42 = arith.subf %sub3A_41, %mul3A_39 : vector<1024x1xf32>
    %mul3A_43 = vector.broadcast %sub3A_42 : vector<1024x1xf32> to vector<1024x512xf32>
    %mul3A_44 = arith.mulf %get3A_38, %mul3A_43 : vector<1024x512xf32>
    %mul3A_45 = vector.broadcast %div3A_35 : vector<1024x1xf32> to vector<1024x512xf32>
    %mul3A_46 = arith.mulf %mul3A_45, %dot_general3A_30 : vector<1024x512xf32>
    %add3A_47 = arith.addf %mul3A_44, %mul3A_46 : vector<1024x512xf32>
    %sub3A_48 = arith.subf %mul3A_4, %add3A_47 : vector<1024x512xf32>
    %mul3A_49 = arith.mulf %sub3A_48, %sub3A_48 : vector<1024x512xf32>
    %reduce_sum3A_50 = vector.shape_cast %mul3A_49 : vector<1024x512xf32> to vector<1x1024x512xf32>
    %reduce_sum3A_51 = arith.constant dense<0.000000e+00> : vector<1xf32>
    %reduce_sum3A_52 = vector.multi_reduction <add>, %reduce_sum3A_50, %reduce_sum3A_51 [1, 2] : vector<1x1024x512xf32> to vector<1xf32>
    %reduce_sum3A_53 = vector.shape_cast %reduce_sum3A_52 : vector<1xf32> to vector<1x1x1xf32>
    %reduce_sum3A_54 = vector.extract %reduce_sum3A_53[0, 0, 0] : f32 from vector<1x1x1xf32>
    %div3A_55 = arith.constant 1.024000e+03 : f32
    %div3A_56 = arith.divf %reduce_sum3A_54, %div3A_55 : f32
    %mul3A_57 = arith.constant 5.000000e-03 : f32
    %mul3A_58 = arith.mulf %mul3A_57, %div3A_56 : f32
    %add3A_59 = arith.addf %neg3A_17, %mul3A_58 : f32
    %swap3A = arith.constant 0 : index
    %swap3A_60 = arith.constant 0 : index
    %swap3A_61 = memref.load %arg6[%swap3A, %swap3A_60] : memref<1x1xf32, #tpu.memory_space<smem>>
    memref.store %add3A_59, %arg6[%swap3A, %swap3A_60] : memref<1x1xf32, #tpu.memory_space<smem>>
    return
  }
}

</mosaic_0001>

<sc_bundles>
// kernel: kernel.5.cloned.1.call-start
scs
__scs_entry_jumppad:
0x0: {  	(pc) =	sbr.rel $0x88, $3  }
0x1: {  	(tag) =	ssettag $0x0;
	lr =	simm.s32 $0x1  }
0x2: {  	[smem:$0x3F9D] =	sst lr;
	_ =	strace $0xD0000000  }
0x3: {  	_ = 	snop  }
0x4: {  	_ = 	snop  }
0x5: {  	_ = 	snop  }
0x6: {  	_ = 	snop  }
0x7: {  	_ = 	snop  }
__scs_overlays_trampoline_lowered:
0x8: {  	[smem:$0x3FAC] =	sst s0  }
0x9: {  	[smem:$0x3FAD] =	sst s1  }
0xa: {  	[smem:$0x3FAE] =	sst s2  }
0xb: {  	[smem:$0x3FAF] =	sst s3  }
0xc: {  	[smem:$0x3FB0] =	sst s4  }
0xd: {  	[smem:$0x3FB1] =	sst s5  }
0xe: {  	[smem:$0x3FB2] =	sst s6  }
0xf: {  	[smem:$0x3FB3] =	sst s7  }
0x10: {  	[smem:$0x3FB4] =	sst s8  }
0x11: {  	[smem:$0x3FB5] =	sst s9;
	s0 =	simm.s32 @!p0 $0x0  }
0x12: {  	s1 =	sld [smem:$0x3F9B];
	s0 =	simm.s32 @p0 $0x1  }
0x13: {  	[smem:$0x3FB6] =	sst s0;
	s0 =	simm.s32 @!p1 $0x0  }
0x14: {  	s2 =	sld [smem:$0x3F9A];
	s0 =	simm.s32 @p1 $0x1  }
0x15: {  	[smem:$0x3FB7] =	sst s0;
	s0 =	simm.s32 @!p2 $0x0  }
0x16: {  	s3 =	sld [smem:$0x3FDB];
	s0 =	simm.s32 @p2 $0x1  }
0x17: {  	s4 =	simm.s32 $0x1BF5;
	[smem:$0x3FB9] =	sst s0  }
0x18: {  	s0 =	sld [smem:$0x3F9C];
	_ =	swait.ge [sflag:s4], $0x0  }
0x19: {  	s7 =	sld [smem:$0x3F9D]  }
0x1a: {  	s8 =	sadd.s32 $0xFFFFE003, lr  }
0x1b: {  	s9 =	sadd.s32 $0xFFFFFEF7, lr;
	s5 =	simm.s32 $0xFFFFFFFF;
	p2 =	slt.u32 s8, $0xFFFFF086  }
0x1c: {  	p1 =	slt.u32 s9, $0xF7A;
	s5 =	simm.s32 @!p2 $0x0  }
0x1d: {  	s5 =	simm.s32 @p1 $0x1;
	p0 =	seq.s32 s7, s2  }
0x1e: {  	s7 =	smul.u32 @!p0 $0xF7A, s2;
	p2 =	seq.s32 @!p0 s5, $0x0  }
0x1f: {  	s9 =	smul.u32 $0xF7A, s1;
	s8 =	simm.s32 @!p0 $0x1BF5;
	p2 =	por !p2, p0  }
0x20: {  	[sflag:s8] =	ssyncset.s32 @!p0 $0xFFFFF086;
	s6 =	sadd.s32 @!p0 s3, s7;
	s7 =	simm.s32 @!p0 $0x108  }
0x21: {  	s3 =	sadd.s32 s3, s9;
	s6 =	sadd.s32 @!p0 $0x88, s6;
	s7 =	simm.s32 @p2 $0x1082  }
0x22: {  	[simem:s7], [sflag:s8] =	dma.local @!p0 [hbm:s6], $0xF7A  }
0x23: {  	s9 =	sor.u32 $0xD0000000, s2;
	s6 =	simm.s32 $0x108;
	_ =	swait.ge @!p0 [sflag:s8], $0x0  }
0x24: {  	s3 =	sadd.s32 $0x88, s3;
	s6 =	simm.s32 @!p1 $0x1082;
	[sflag:s4] =	ssyncset.s32 $0xFFFFF086  }
0x25: {  	[simem:s6], [sflag:s4] =	dma.local [hbm:s3], $0xF7A  }
0x26: {  	[smem:$0x3F9D] =	sst s1;
	(tag) =	ssettag s2;
	_ =	strace s9  }
0x27: {  	s1 =	sld [smem:$0x3FAD]  }
0x28: {  	s2 =	sld [smem:$0x3FAE]  }
0x29: {  	s4 =	sld [smem:$0x3FB0]  }
0x2a: {  	p0 =	seq.s32 s5, $0x0;
	s5 =	sld [smem:$0x3FB1]  }
0x2b: {  	s6 =	sld [smem:$0x3FB2]  }
0x2c: {  	s7 =	sld [smem:$0x3FB3]  }
0x2d: {  	s3 =	simm.s32 $0x108;
	s8 =	sld [smem:$0x3FB4]  }
0x2e: {  	s3 =	simm.s32 @!p0 $0x1082;
	s9 =	sld [smem:$0x3FB5]  }
0x2f: {  	lr =	sadd.s32 s0, s3;
	s0 =	sld [smem:$0x3FAC]  }
0x30: {  	s3 =	sld [smem:$0x3FAF]  }
0x31: {  	[smem:$0x3FB8] =	sst s10  }
0x32: {  	s10 =	sld [smem:$0x3FB6];
	_ =	sdelay $0x3  }
0x33: {  	p0 =	seq.s32 s10, $0x1;
	s10 =	sld [smem:$0x3FB8];
	_ =	sdelay $0x3  }
0x34: {  	[smem:$0x3FB8] =	sst s10  }
0x35: {  	s10 =	sld [smem:$0x3FB7];
	_ =	sdelay $0x3  }
0x36: {  	p1 =	seq.s32 s10, $0x1;
	s10 =	sld [smem:$0x3FB8];
	_ =	sdelay $0x3  }
0x37: {  	[smem:$0x3FB8] =	sst s10  }
0x38: {  	s10 =	sld [smem:$0x3FB9]  }
0x39: {  	_ = 	snop;
	(pc) =	sbr.ind lr, $3  }
0x3a: {  	_ = 	snop  }
0x3b: {  	_ = 	snop  }
0x3c: {  	p2 =	seq.s32 s10, $0x1;
	s10 =	sld [smem:$0x3FB8]  }
0x3d: {  	_ =	shalt  }
0x3e: {  	_ =	shalt  }
0x3f: {  	_ =	shalt  }
0x40: {  	_ =	shalt  }
0x41: {  	_ =	shalt  }
0x42: {  	_ =	shalt  }
0x43: {  	_ =	shalt  }
0x44: {  	_ =	shalt  }
0x45: {  	_ =	shalt  }
0x46: {  	_ =	shalt  }
0x47: {  	_ =	shalt  }
0x48: {  	_ =	shalt  }
0x49: {  	_ =	shalt  }
0x4a: {  	_ =	shalt  }
0x4b: {  	_ =	shalt  }
0x4c: {  	_ =	shalt  }
0x4d: {  	_ =	shalt  }
0x4e: {  	_ =	shalt  }
0x4f: {  	_ =	shalt  }
0x50: {  	_ =	shalt  }
0x51: {  	_ =	shalt  }
0x52: {  	_ =	shalt  }
0x53: {  	_ =	shalt  }
0x54: {  	_ =	shalt  }
0x55: {  	_ =	shalt  }
0x56: {  	_ =	shalt  }
0x57: {  	_ =	shalt  }
0x58: {  	_ =	shalt  }
0x59: {  	_ =	shalt  }
0x5a: {  	_ =	shalt  }
0x5b: {  	_ =	shalt  }
0x5c: {  	_ =	shalt  }
0x5d: {  	_ =	shalt  }
0x5e: {  	_ =	shalt  }
0x5f: {  	_ =	shalt  }
0x60: {  	_ =	shalt  }
0x61: {  	_ =	shalt  }
0x62: {  	_ =	shalt  }
0x63: {  	_ =	shalt  }
0x64: {  	_ =	shalt  }
0x65: {  	_ =	shalt  }
0x66: {  	_ =	shalt  }
0x67: {  	_ =	shalt  }
0x68: {  	_ =	shalt  }
0x69: {  	_ =	shalt  }
0x6a: {  	_ =	shalt  }
0x6b: {  	_ =	shalt  }
0x6c: {  	_ =	shalt  }
0x6d: {  	_ =	shalt  }
0x6e: {  	_ =	shalt  }
0x6f: {  	_ =	shalt  }
0x70: {  	_ =	shalt  }
0x71: {  	_ =	shalt  }
0x72: {  	_ =	shalt  }
0x73: {  	_ =	shalt  }
0x74: {  	_ =	shalt  }
0x75: {  	_ =	shalt  }
0x76: {  	_ =	shalt  }
0x77: {  	_ =	shalt  }
0x78: {  	_ =	shalt  }
0x79: {  	_ =	shalt  }
0x7a: {  	_ =	shalt  }
0x7b: {  	_ =	shalt  }
0x7c: {  	_ =	shalt  }
0x7d: {  	_ =	shalt  }
0x7e: {  	_ =	shalt  }
0x7f: {  	_ =	shalt  }
0x80: {  	_ =	shalt  }
0x81: {  	_ =	shalt  }
0x82: {  	_ =	shalt  }
0x83: {  	_ =	shalt  }
0x84: {  	_ =	shalt  }
0x85: {  	_ =	shalt  }
0x86: {  	_ =	shalt  }
0x87: {  	_ =	shalt  }
.Lfunc_end0:
.L_simem_size_0:
called_computation_lowered:
.L_overlay_start_0:
0x88: {  	s2 =	sld [smem:$0x3FD9]  }
0x89: {  	s3 =	sld [smem:$0x3FFE];
	_ =	sdelay $0x1  }
0x8a: {  	s1 =	srdreg.scid  }
0x8b: {  	s0 =	sand.u32 $0x1, s1  }
0x8c: {  	s17 =	sshll.u32 s0, $0xA;
	s2 =	sadd.s32 s3, s2  }
0x8d: {  	s2 =	sadd.s32 s2, s17  }
0x8e: {  	[smem:$0x3FC4] =	sst s2  }
0x8f: {  	_ = 	snop  }
0x90: {  	s2 =	sld [smem:$0x3FC8]  }
0x91: {  	s18 =	sld [smem:$0x3FC6];
	(tm) =	ssettm $0x1  }
0x92: {  	s4 =	sld [smem:$0x3FFB];
	_ =	sdelay $0x3  }
0x93: {  	_ =	strace s4  }
0x94: {  	s4 =	sld [smem:$0x3FFC];
	_ =	sdelay $0x3  }
0x95: {  	_ =	strace s4  }
0x96: {  	s4 =	sld [smem:$0x3FFD];
	_ =	sdelay $0x3  }
0x97: {  	_ =	strace s4  }
0x98: {  	_ =	strace $0x8FFFFFFF  }
0x99: {  	s19 =	sld [smem:$0x3FDB];
	_ =	sdelay $0x1  }
0x9a: {  	s5 =	simm.s32 $_scs_section_size  }
0x9b: {  	s6 =	simm.s32 $_size__tile_overlayer_lowered;
	s7 =	simm.s32 $_tile_overlayer_lowered  }
0x9c: {  	s22 =	simm.s32 $0x1BFF;
	s21 =	sshll.u32 s7, $0x1;
	s4 =	sadd.s32 s5, s19  }
0x9d: {  	s8 =	simm.s32 $0x0;
	s20 =	sshll.u32 s6, $0x1;
	s6 =	sadd.s32 s21, s4  }
0x9e: {  	[timem:s8], [sflag:s22] =	dma.local [hbm:s6], s20  }
0x9f: {  	_ =	swait.ge [sflag:s22], s20  }
0xa0: {  	s5 =	ssub.s32 $0x0, s20;
	[sflag:s22] =	ssyncset.done $0x0  }
0xa1: {  	[sflag:s22] =	ssyncadd.s32 s5;
	_ =	sdelay $0x1  }
0xa2: {  	s23 =	simm.s32 $0x1B8B  }
0xa3: {  	_ =	swait.ge [sflag:s23], $0x1  }
0xa4: {  	[sflag:s23] =	ssyncset.done $0x0  }
0xa5: {  	s25 =	simm.s32 $0x1B8E;
	s24 =	sld [smem:$0x3FFE];
	[sflag:s23] =	ssyncadd.s32 $0xFFFFFFFF  }
0xa6: {  	s26 =	simm.s32 $execute0_lowered;
	[smem:$0x3FD2] =	sst s25  }
0xa7: {  	s6 =	sshll.u32 s26, $0x1;
	_ =	strace $0x80000046;
	[dreg:$0x1] =	wrdreg $0xFFFFFFFF  }
0xa8: {  	s28 =	simm.s32 $_size_execute0_lowered;
	s4 =	sadd.s32 s4, s6;
	[dreg:$0x0] =	wrdreg $0x0  }
0xa9: {  	s6 =	sshll.u32 s28, $0x1;
	[dreg:$0x2] =	wrdreg s4  }
0xaa: {  	[dreg:$0x3] =	wrdreg s6  }
0xab: {  	[dreg:$0x4] =	wrdreg $0xC0  }
0xac: {  	_ =	task [dreg:s8], $0x5FFFF  }
0xad: {  	[dreg:$0x1] =	wrdreg $0xFFFFFFFF  }
0xae: {  	[dreg:$0x0] =	wrdreg $0x60  }
0xaf: {  	[dreg:$0x2] =	wrdreg s18  }
0xb0: {  	[dreg:$0x3] =	wrdreg s2  }
0xb1: {  	[dreg:$0x4] =	wrdreg s24  }
0xb2: {  	[dreg:$0x5] =	wrdreg $0x9  }
0xb3: {  	_ =	task.clear_ibuf [dreg:s8], $0x6FFFF;
	_ =	strace $0x90000046  }
0xb4: {  	s29 =	simm.s32 $0x9;
	_ =	strace $0x80000048  }
0xb5: {  	_ =	swait.ge [sflag:s29], $0x1  }
0xb6: {  	[sflag:s29] =	ssyncadd.s32 $0xFFFFFFFF  }
0xb7: {  	_ =	strace $0x90000048  }
0xb8: {  	_ =	sfence  }
0xb9: {  	s30 =	sld [smem:$0x0];
	_ =	sdelay $0x2  }
0xba: {  	s31 =	sshll.u32 s1, $0xD;
	s1 =	sshrl.u32 s1, $0x2  }
0xbb: {  	s3 =	sand.u32 $0x4000, s31;
	s1 =	sadd.s32 s1, s30  }
0xbc: {  	s0 =	sor.u32 s3, s0;
	s1 =	sshll.u32 s1, $0x11  }
0xbd: {  	s0 =	sor.u32 s1, s0  }
0xbe: {  	s0 =	sadd.s32 $0x8F2B, s0  }
0xbf: {  	[sflag:s0] =	ssyncadd.remote.s32 $0x1  }
0xc0: {  	_ =	sfence.sel $0xFFFF  }
0xc1: {  	[dreg:$0x0] =	wrdreg $0xFFFFFFFF;
	(pc) =	sbr.abs _section_cstart, $3  }
0xc2: {  	[dreg:$0x1] =	wrdreg $0xFFFFFFFF  }
0xc3: {  	_ =	task.clear_ibuf [dreg:s8], $0x2FFFF;
	_ =	strace $0x9FFFFFFF  }
0xc4: {  	(tm) =	ssettm $0x7FFFFFFF  }
0xc5: {  	_ =	shalt  }
tec
execute0_lowered:
.L_overlay_start_1:
0x0: {  	(tag) =	ssettag $0x1  }
0x1: {  	s1 =	rddreg [dreg:$0x0]  }
0x2: {  	s4 =	rddreg [dreg:$0x1]  }
0x3: {  	s5 =	rddreg [dreg:$0x2];
	s3 =	srdreg.scid  }
0x4: {  	s0 =	rddreg [dreg:$0x3];
	s2 =	stileid.u32  }
0x5: {  	s10 =	simm.s32 $0x880;
	s11 =	simm.s32 $0x1080;
	s12 =	simm.s32 $0x1880  }
0x6: {  	s13 =	simm.s32 $0x2080;
	s14 =	simm.s32 $0x2880;
	s15 =	simm.s32 $0x3080  }
0x7: {  	s16 =	simm.s32 $0x3880;
	s17 =	simm.s32 $0x1;
	s6 =	sand.u32 $0x1, s3  }
0x8: {  	s3 =	simm.s32 $0x0;
	s7 =	sshll.u32 s2, $0x6;
	s8 =	sshll.u32 s6, $0x5  }
0x9: {  	[smem:$0x7FF] =	sst s3;
	s6 =	ssub.s32 $0x2, s6;
	s7 =	sor.u32 s8, s7  }
0xa: {  	_ =	strace $0x80000047;
	s31 =	sshrl.u32 s6, $0x1;
	s8 =	sshll.u32 s7, $0x6  }
0xb: {  	v2 =	vlaneseq.u32;
	s7 =	sshrl.u32 s7, $0x3;
	s9 =	ssub.s32 s6, s31;
	s8 =	sadd.s32 s8, s5  }
0xc: {  	vm0 =	vmmov $0xffff;
	v1 =	vshrl.u32 v2, $0x3;
	s4 =	sadd.s32 s4, s7;
	s5 =	sadd.s32 $0x100, s1;
	s7 =	smax.u32 s9, $0x1  }
0xd: {  	v0 =	vand.u32 $0x7, v2;
	v2 =	vor.u32 $0x8, v2;
	v1 =	vmul.u32 $0x8, v1;
	s9 =	simm.s32 $0x80;
	s6 =	sadd.s32 $0x1400, s8;
	s8 =	simm.s32 $0x2  }
.LBB2_1:
0xe: {  	[tilespmem:s3], [sflag:$0x2] =	stream.linear.gather [hbm4b:s4+s3], $0x20, $0x38;
	[tilespmem:$0x4080] =	vst v63  }
0xf: {  	_ =	swait.ge [sflag:s8], $0x20  }
0x10: {  	[sflag:s8] =	ssyncset.done $0x0  }
0x11: {  	[sflag:s8] =	ssyncadd.s32 $0xFFFFFFE0  }
0x12: {  	v3 =	vld [tilespmem:$0x0];
	_ =	sdelay $0x4  }
0x13: {  	v4 =	vshll.u32 v3, $0x2  }
0x14: {  	v3 =	vand.u32 $0x7, v3;
	v4 =	vand.u32 $0xFFFFFFE0, v4  }
0x15: {  	v3 =	vor.u32 v3, v4  }
0x16: {  	v4 =	vperm.xlane v3, v0;
	_ =	sdelay $0x1  }
0x17: {  	v4 =	vadd.s32 v1, v4;
	_ =	sdelay $0x1  }
0x18: {  	v3 =	vperm.xlane v3, v2;
	_ =	sdelay $0x1  }
0x19: {  	v3 =	vadd.s32 v1, v3  }
0x1a: {  	[tilespmem:s9], [sflag:$0x1] =	stream.indirect_vreg.gather [hbm4b:s1+s3], $0x80, v4, vm0, $0xb8;
	[tilespmem:$0x4080] =	vst v63  }
0x1b: {  	_ = 	snop  }
0x1c: {  	[tilespmem:s10], [sflag:$0x1] =	stream.indirect_vreg.gather [hbm4b:s5+s3], $0x80, v4, vm0, $0xb8;
	[tilespmem:$0x4080] =	vst v63  }
0x1d: {  	_ = 	snop  }
0x1e: {  	[tilespmem:s11], [sflag:$0x1] =	stream.indirect_vreg.gather [hbm4b:s1+s3], $0x80, v3, vm0, $0xb8;
	[tilespmem:$0x4080] =	vst v63  }
0x1f: {  	_ = 	snop  }
0x20: {  	[tilespmem:s12], [sflag:$0x1] =	stream.indirect_vreg.gather [hbm4b:s5+s3], $0x80, v3, vm0, $0xb8;
	[tilespmem:$0x4080] =	vst v63  }
0x21: {  	v3 =	vld [tilespmem:$0x10];
	_ =	sdelay $0x4  }
0x22: {  	v63 =	vshll.u32 v3, $0x2  }
0x23: {  	v3 =	vand.u32 $0x7, v3;
	v4 =	vand.u32 $0xFFFFFFE0, v63  }
0x24: {  	v3 =	vor.u32 v3, v4  }
0x25: {  	v4 =	vperm.xlane v3, v0;
	_ =	sdelay $0x1  }
0x26: {  	v4 =	vadd.s32 v1, v4;
	_ =	sdelay $0x1  }
0x27: {  	v3 =	vperm.xlane v3, v2;
	_ =	sdelay $0x1  }
0x28: {  	v3 =	vadd.s32 v1, v3  }
0x29: {  	[tilespmem:s13], [sflag:$0x1] =	stream.indirect_vreg.gather [hbm4b:s1+s3], $0x80, v4, vm0, $0xb8;
	[tilespmem:$0x4080] =	vst v63  }
0x2a: {  	_ = 	snop  }
0x2b: {  	[tilespmem:s14], [sflag:$0x1] =	stream.indirect_vreg.gather [hbm4b:s5+s3], $0x80, v4, vm0, $0xb8;
	[tilespmem:$0x4080] =	vst v63  }
0x2c: {  	_ = 	snop  }
0x2d: {  	[tilespmem:s15], [sflag:$0x1] =	stream.indirect_vreg.gather [hbm4b:s1+s3], $0x80, v3, vm0, $0xb8;
	[tilespmem:$0x4080] =	vst v63  }
0x2e: {  	_ = 	snop  }
0x2f: {  	[tilespmem:s16], [sflag:$0x1] =	stream.indirect_vreg.gather [hbm4b:s5+s3], $0x80, v3, vm0, $0xb8;
	[tilespmem:$0x4080] =	vst v63  }
0x30: {  	_ =	swait.ge [sflag:s17], $0x4000  }
0x31: {  	p0 =	sne.s32 s7, $0x1;
	[sflag:s17] =	ssyncset.done $0x0  }
.Ltmp0:
0x32: {  	[sflag:s17] =	ssyncadd.s32 $0xFFFFC000;
	(pc) =	sbr.rel @p0 .LBB2_1-.Ltmp0, $4  }
0x33: {  	[hbm4b:s6+s3] =	stream.linear.scatter [tilespmem:s9], [sflag:$0x2], $0x4000, $0x38;
	[tilespmem:$0x4080] =	vst v63  }
0x34: {  	_ =	swait.ge [sflag:s8], $0x4000  }
0x35: {  	[sflag:s8] =	ssyncset.done $0x0  }
0x36: {  	s7 =	sadd.s32 $0xFFFFFFFF, s7;
	[sflag:s8] =	ssyncadd.s32 $0xFFFFC000  }
0x37: {  	_ =	sfence.sel $0x180000  }
0x38: {  	[bflag:$0x0] =	sbarrier.arrive $0xFFFF  }
0x39: {  	p0 =	sne.s32 s2, $0x0;
	_ =	strace $0x90000047  }
0x3a: {  	s0 =	sadd.s32 @!p0 $0x100000, s0;
	[bflag:$0x2] =	sbarrier.arrive $0xFFFF  }
0x3b: {  	[sflag:s0] =	ssyncadd.tile.s32 @!p0 $0x1;
	_ =	shalt  }
.Lfunc_end2:
_tile_overlayer_lowered:
.L_overlay_start_2:
0x3c: {  	(tag) =	ssettag $0x2  }
0x3d: {  	s0 =	rddreg [dreg:$0x0];
	s2 =	stileid.u32  }
0x3e: {  	s1 =	rddreg [dreg:$0x1];
	p0 =	sne.s32 s2, $0x0  }
0x3f: {  	s3 =	rddreg [dreg:$0x2];
	[bflag:$0x3] =	sbarrier.arrive $0xFFFF;
	s2 =	simm.s32 @!p0 $0x1C02  }
0x40: {  	[timem:s3], [sflag:s2] =	dma.local @!p0 [hbm:s0], s1  }
0x41: {  	s0 =	simm.s32 @!p0 $0x2  }
0x42: {  	_ =	swait.ge @!p0 [sflag:s0], s1  }
0x43: {  	s1 =	ssub.s32 @!p0 $0x0, s1;
	[sflag:s0] =	ssyncset.done @!p0 $0x0  }
0x44: {  	[sflag:s0] =	ssyncadd.s32 @!p0 s1  }
0x45: {  	[bflag:$0x3] =	sbarrier.arrive $0xFFFF  }
0x46: {  	_ =	shalt  }

</sc_bundles>
